<compile_context>
chip_gen: v7x
topology: tpu7x:2x2x1
jax: 0.10.2.dev20260603
libtpu: 0.0.44.dev20260713+nightly
codegen_flags: <defaults>
</compile_context>

<pallas_src>
import functools

import jax
import jax.numpy as jnp
from jax import lax
from jax.experimental import pallas as pl
from jax.experimental.pallas import tpu as pltpu
from jax.experimental.pallas import tpu_sc as plsc

_TILE = 2048
_NW = 32


def _mm_body(x_ref, wt_ref, lg_ref):
    lg_ref[...] = jnp.dot(x_ref[...], wt_ref[...],
                          preferred_element_type=jnp.float32)


def _tc_logits(xf, wt):
    n, dim = xf.shape
    n_experts = wt.shape[1]
    grid = n // _TILE
    return pl.pallas_call(
        _mm_body,
        grid=(grid,),
        in_specs=[
            pl.BlockSpec((_TILE, dim), lambda i: (i, 0)),
            pl.BlockSpec((dim, n_experts), lambda i: (0, 0)),
        ],
        out_specs=pl.BlockSpec((_TILE, n_experts), lambda i: (i, 0)),
        out_shape=jax.ShapeDtypeStruct((n, n_experts), jnp.float32),
    )(xf, wt)


def _sc_route(lg):
    n, n_experts = lg.shape
    tpt = n // _NW
    mesh = plsc.VectorSubcoreMesh(core_axis_name="c", subcore_axis_name="s")

    @functools.partial(
        pl.kernel,
        mesh=mesh,
        compiler_params=pltpu.CompilerParams(
            needs_layout_passes=False, use_tc_tiling_on_sc=False),
        out_type=[
            jax.ShapeDtypeStruct((n,), jnp.int32),
            jax.ShapeDtypeStruct((n,), jnp.int32),
            jax.ShapeDtypeStruct((n,), jnp.float32),
            jax.ShapeDtypeStruct((n,), jnp.float32),
        ],
        scratch_types=[
            pltpu.VMEM((tpt, n_experts), jnp.float32),
            pltpu.VMEM((tpt,), jnp.int32),
            pltpu.VMEM((tpt,), jnp.int32),
            pltpu.VMEM((tpt,), jnp.float32),
            pltpu.VMEM((tpt,), jnp.float32),
        ],
    )
    def route(lg_hbm, i1_hbm, i2_hbm, w1_hbm, w2_hbm,
              lgv, i1v, i2v, w1v, w2v):
        lane = lax.iota(jnp.int32, 16)
        wid = lax.axis_index("s") * 2 + lax.axis_index("c")
        base = wid * tpt
        pltpu.sync_copy(lg_hbm.at[pl.ds(base, tpt)], lgv)

        def body(t, _):
            lgrow = lgv[t]
            ks, vs = plsc.sort_key_val(lgrow, lane, descending=True)
            r = jnp.exp(jnp.full((16,), ks[1] - ks[0], jnp.float32))
            w1 = 1.0 / (1.0 + r)
            w2 = r * w1
            tv = jnp.full((16,), t, jnp.int32)
            m0 = lane == 0
            m1m = lane == 1
            plsc.store_scatter(i1v, [tv], vs, mask=m0)
            plsc.store_scatter(i2v, [tv], vs, mask=m1m)
            plsc.store_scatter(w1v, [tv], w1, mask=m0)
            plsc.store_scatter(w2v, [tv], w2, mask=m0)
            return 0

        lax.fori_loop(0, tpt, body, 0)
        pltpu.sync_copy(i1v, i1_hbm.at[pl.ds(base, tpt)])
        pltpu.sync_copy(i2v, i2_hbm.at[pl.ds(base, tpt)])
        pltpu.sync_copy(w1v, w1_hbm.at[pl.ds(base, tpt)])
        pltpu.sync_copy(w2v, w2_hbm.at[pl.ds(base, tpt)])

    return route(lg)


def kernel(x, weight):
    n_experts, dim = weight.shape
    xf = x.reshape(-1, dim)
    lg = _tc_logits(xf, weight.T)
    i1, i2, w1, w2 = _sc_route(lg)
    idx = jnp.stack([i1, i2], axis=-1)
    w = jnp.stack([w1, w2], axis=-1)
    return idx, w

# --- scband reference (transcript-rebuilt; emitter-appended) ---
"""Pipeline reference for scband-sigma-gate-37177236914768 (READ-ONLY COPY).

The authoritative reference and input builder live on the scoring server;
editing this copy changes nothing except your own understanding.
"""

import jax, jax.numpy as jnp
import numpy as np

DIM = 768
N_EXPERTS = 16
K_EXPERTS = 2


def setup_inputs(seed: int = 0) -> dict:
    key = jax.random.key(seed)
    kx, kw = jax.random.split(key)
    x = jax.random.normal(kx, (4, 8192, DIM), dtype=jnp.float32)
    # kaiming_uniform_(a=sqrt(5)) on weight of shape (n_experts, dim):
    # gain = sqrt(2/(1+a^2)) = sqrt(1/3); bound = gain * sqrt(3/fan_in) = 1/sqrt(fan_in)
    bound = 1.0 / np.sqrt(DIM)
    weight = jax.random.uniform(kw, (N_EXPERTS, DIM), dtype=jnp.float32, minval=-bound, maxval=bound)
    return {"x": x, "weight": weight}


def reference(x, weight):
    xf = x.reshape(-1, x.shape[-1])
    logits = xf @ weight.T
    scores = jax.nn.softmax(logits, axis=-1)
    topk_weight, topk_idx = jax.lax.top_k(scores, K_EXPERTS)
    denominator = jnp.sum(topk_weight, axis=-1, keepdims=True) + 1e-20
    topk_weight = topk_weight / denominator
    return (topk_idx, topk_weight)

if __name__ == "__main__":
    import jax
    _d = setup_inputs()
    print(jax.jit(kernel)(*tuple(_d.values())))

</pallas_src>

<mosaic_0001>
#map = affine_map<(d0, d1) -> (0, 0)>
#map1 = affine_map<(d0, d1) -> (0)>
module attributes {stable_mosaic.version = 14 : i64} {
  func.func @route(%arg0: i32, %arg1: i32, %arg2: memref<32768x16xf32, #tpu.memory_space<hbm>>, %arg3: memref<32768xi32, #tpu.memory_space<hbm>>, %arg4: memref<32768xi32, #tpu.memory_space<hbm>>, %arg5: memref<32768xf32, #tpu.memory_space<hbm>>, %arg6: memref<32768xf32, #tpu.memory_space<hbm>>, %arg7: memref<1024x16xf32, #tpu.memory_space<vmem>>, %arg8: memref<1024xi32, #tpu.memory_space<vmem>>, %arg9: memref<1024xi32, #tpu.memory_space<vmem>>, %arg10: memref<1024xf32, #tpu.memory_space<vmem>>, %arg11: memref<1024xf32, #tpu.memory_space<vmem>>) attributes {dimension_semantics = [#tpu.dimension_semantics<core_parallel>, #tpu.dimension_semantics<subcore_parallel>], iteration_bounds = array<i64: 2, 16>, scalar_prefetch = 0 : i64, scratch_operands = 5 : i64, tpu.core_type = #tpu.core_type<sc_vector_subcore>, window_params = [{transform_indices = #map}, {transform_indices = #map1}, {transform_indices = #map1}, {transform_indices = #map1}, {transform_indices = #map1}]} {
    %iota3A = tpu.iota {dimensions = array<i32: 0>} : vector<16xi32>
    %mul3A = arith.constant 2 : i32
    %mul3A_0 = arith.muli %arg1, %mul3A : i32
    %add3A = arith.addi %mul3A_0, %arg0 : i32
    %mul3A_1 = arith.constant 1024 : i32
    %mul3A_2 = arith.muli %add3A, %mul3A_1 : i32
    "tpu.region"() ({
      %run_scoped3A = tpu.sem_alloc : memref<!tpu.dma_semaphore, #tpu.memory_space<semaphore_mem>>
      %dma_start3A = arith.constant 0 : i32
      %dma_start3A_9 = tpu.memref_slice %arg2[%mul3A_2, %dma_start3A] : memref<32768x16xf32, #tpu.memory_space<hbm>> -> memref<1024x16xf32, #tpu.memory_space<hbm>>
      %dma_start3A_10 = arith.constant 0 : i32
      %dma_start3A_11 = tpu.memref_slice %arg2[%mul3A_2, %dma_start3A_10] : memref<32768x16xf32, #tpu.memory_space<hbm>> -> memref<1024x16xf32, #tpu.memory_space<hbm>>
      tpu.enqueue_dma source(%dma_start3A_11 : memref<1024x16xf32, #tpu.memory_space<hbm>>) target(%arg7 : memref<1024x16xf32, #tpu.memory_space<vmem>>) target_semaphore(%run_scoped3A : memref<!tpu.dma_semaphore, #tpu.memory_space<semaphore_mem>>)
      %dma_wait3A = arith.constant 0 : i32
      %dma_wait3A_12 = tpu.memref_slice %arg2[%mul3A_2, %dma_wait3A] : memref<32768x16xf32, #tpu.memory_space<hbm>> -> memref<1024x16xf32, #tpu.memory_space<hbm>>
      %dma_wait3A_13 = arith.constant 0 : i32
      %dma_wait3A_14 = tpu.memref_slice %arg2[%mul3A_2, %dma_wait3A_13] : memref<32768x16xf32, #tpu.memory_space<hbm>> -> memref<1024x16xf32, #tpu.memory_space<hbm>>
      tpu.wait_dma2 semaphore(%run_scoped3A : memref<!tpu.dma_semaphore, #tpu.memory_space<semaphore_mem>>) src(%dma_wait3A_14 : memref<1024x16xf32, #tpu.memory_space<hbm>>) dst(%arg7 : memref<1024x16xf32, #tpu.memory_space<vmem>>)
      tpu.yield
    }) : () -> ()
    %scan3A = arith.constant 0 : i32
    %scan3A_3 = arith.constant 0 : i32
    %scan3A_4 = arith.constant 1024 : i32
    %scan3A_5 = arith.addi %scan3A_3, %scan3A_4 : i32
    %scan3A_6 = arith.constant 1 : i32
    %scan3A_7 = scf.for %scan3A_9 = %scan3A_3 to %scan3A_5 step %scan3A_6 iter_args(%scan3A_10 = %scan3A) -> (i32)  : i32 {
      %get3A = arith.index_cast %scan3A_9 : i32 to index
      %get3A_11 = arith.constant 0 : index
      %get3A_12 = tpu.vector_load %arg7[%get3A, %get3A_11] {strides = array<i32>} : memref<1024x16xf32, #tpu.memory_space<vmem>>, vector<16xf32>,
      %masked_sort3A = arith.constant dense<true> : vector<16xi1>
      %masked_sort3A_13, %masked_sort3A_14, %masked_sort3A_15 = tpu.sort %get3A_12, %iota3A masked %masked_sort3A {descending = true} : (vector<16xf32>, vector<16xi32>, vector<16xi1>) -> (vector<16xi1>, vector<16xf32>, vector<16xi32>)
      %slice3A = vector.extract_strided_slice %masked_sort3A_14 {offsets = [1], sizes = [1], strides = [1]} : vector<16xf32> to vector<1xf32>
      %squeeze3A = vector.extract %slice3A[0] : f32 from vector<1xf32>
      %slice3A_16 = vector.extract_strided_slice %masked_sort3A_14 {offsets = [0], sizes = [1], strides = [1]} : vector<16xf32> to vector<1xf32>
      %squeeze3A_17 = vector.extract %slice3A_16[0] : f32 from vector<1xf32>
      %sub3A = arith.subf %squeeze3A, %squeeze3A_17 : f32
      %broadcast_in_dim3A = vector.broadcast %sub3A : f32 to vector<16xf32>
      %exp3A = math.exp %broadcast_in_dim3A : vector<16xf32>
      %add3A_18 = arith.constant 1.000000e+00 : f32
      %add3A_19 = vector.broadcast %add3A_18 : f32 to vector<16xf32>
      %add3A_20 = arith.addf %add3A_19, %exp3A : vector<16xf32>
      %div3A = arith.constant 1.000000e+00 : f32
      %div3A_21 = vector.broadcast %div3A : f32 to vector<16xf32>
      %div3A_22 = arith.divf %div3A_21, %add3A_20 : vector<16xf32>
      %mul3A_23 = arith.mulf %exp3A, %div3A_22 : vector<16xf32>
      %broadcast_in_dim3A_24 = vector.broadcast %scan3A_9 : i32 to vector<16xi32>
      %eq3A = arith.constant 0 : i32
      %eq3A_25 = vector.broadcast %eq3A : i32 to vector<16xi32>
      %eq3A_26 = arith.cmpi eq, %iota3A, %eq3A_25 : vector<16xi32>
      %eq3A_27 = arith.constant 1 : i32
      %eq3A_28 = vector.broadcast %eq3A_27 : i32 to vector<16xi32>
      %eq3A_29 = arith.cmpi eq, %iota3A, %eq3A_28 : vector<16xi32>
      tpu.vector_store_idx %arg8[%broadcast_in_dim3A_24], %masked_sort3A_15 masked %eq3A_26 : memref<1024xi32, #tpu.memory_space<vmem>>[vector<16xi32>], vector<16xi32>, vector<16xi1>
      tpu.vector_store_idx %arg9[%broadcast_in_dim3A_24], %masked_sort3A_15 masked %eq3A_29 : memref<1024xi32, #tpu.memory_space<vmem>>[vector<16xi32>], vector<16xi32>, vector<16xi1>
      tpu.vector_store_idx %arg10[%broadcast_in_dim3A_24], %div3A_22 masked %eq3A_26 : memref<1024xf32, #tpu.memory_space<vmem>>[vector<16xi32>], vector<16xf32>, vector<16xi1>
      tpu.vector_store_idx %arg11[%broadcast_in_dim3A_24], %mul3A_23 masked %eq3A_26 : memref<1024xf32, #tpu.memory_space<vmem>>[vector<16xi32>], vector<16xf32>, vector<16xi1>
      %scan3A_30 = arith.constant 0 : i32
      scf.yield %scan3A_30 : i32
    }
    %scan3A_8 = arith.constant 1024 : i32
    "tpu.region"() ({
      %run_scoped3A = tpu.sem_alloc : memref<!tpu.dma_semaphore, #tpu.memory_space<semaphore_mem>>
      %dma_start3A = tpu.memref_slice %arg3[%mul3A_2] : memref<32768xi32, #tpu.memory_space<hbm>> -> memref<1024xi32, #tpu.memory_space<hbm>>
      %dma_start3A_9 = tpu.memref_slice %arg3[%mul3A_2] : memref<32768xi32, #tpu.memory_space<hbm>> -> memref<1024xi32, #tpu.memory_space<hbm>>
      tpu.enqueue_dma source(%arg8 : memref<1024xi32, #tpu.memory_space<vmem>>) target(%dma_start3A_9 : memref<1024xi32, #tpu.memory_space<hbm>>) target_semaphore(%run_scoped3A : memref<!tpu.dma_semaphore, #tpu.memory_space<semaphore_mem>>)
      %dma_wait3A = tpu.memref_slice %arg3[%mul3A_2] : memref<32768xi32, #tpu.memory_space<hbm>> -> memref<1024xi32, #tpu.memory_space<hbm>>
      %dma_wait3A_10 = tpu.memref_slice %arg3[%mul3A_2] : memref<32768xi32, #tpu.memory_space<hbm>> -> memref<1024xi32, #tpu.memory_space<hbm>>
      tpu.wait_dma2 semaphore(%run_scoped3A : memref<!tpu.dma_semaphore, #tpu.memory_space<semaphore_mem>>) src(%arg8 : memref<1024xi32, #tpu.memory_space<vmem>>) dst(%dma_wait3A_10 : memref<1024xi32, #tpu.memory_space<hbm>>)
      tpu.yield
    }) : () -> ()
    "tpu.region"() ({
      %run_scoped3A = tpu.sem_alloc : memref<!tpu.dma_semaphore, #tpu.memory_space<semaphore_mem>>
      %dma_start3A = tpu.memref_slice %arg4[%mul3A_2] : memref<32768xi32, #tpu.memory_space<hbm>> -> memref<1024xi32, #tpu.memory_space<hbm>>
      %dma_start3A_9 = tpu.memref_slice %arg4[%mul3A_2] : memref<32768xi32, #tpu.memory_space<hbm>> -> memref<1024xi32, #tpu.memory_space<hbm>>
      tpu.enqueue_dma source(%arg9 : memref<1024xi32, #tpu.memory_space<vmem>>) target(%dma_start3A_9 : memref<1024xi32, #tpu.memory_space<hbm>>) target_semaphore(%run_scoped3A : memref<!tpu.dma_semaphore, #tpu.memory_space<semaphore_mem>>)
      %dma_wait3A = tpu.memref_slice %arg4[%mul3A_2] : memref<32768xi32, #tpu.memory_space<hbm>> -> memref<1024xi32, #tpu.memory_space<hbm>>
      %dma_wait3A_10 = tpu.memref_slice %arg4[%mul3A_2] : memref<32768xi32, #tpu.memory_space<hbm>> -> memref<1024xi32, #tpu.memory_space<hbm>>
      tpu.wait_dma2 semaphore(%run_scoped3A : memref<!tpu.dma_semaphore, #tpu.memory_space<semaphore_mem>>) src(%arg9 : memref<1024xi32, #tpu.memory_space<vmem>>) dst(%dma_wait3A_10 : memref<1024xi32, #tpu.memory_space<hbm>>)
      tpu.yield
    }) : () -> ()
    "tpu.region"() ({
      %run_scoped3A = tpu.sem_alloc : memref<!tpu.dma_semaphore, #tpu.memory_space<semaphore_mem>>
      %dma_start3A = tpu.memref_slice %arg5[%mul3A_2] : memref<32768xf32, #tpu.memory_space<hbm>> -> memref<1024xf32, #tpu.memory_space<hbm>>
      %dma_start3A_9 = tpu.memref_slice %arg5[%mul3A_2] : memref<32768xf32, #tpu.memory_space<hbm>> -> memref<1024xf32, #tpu.memory_space<hbm>>
      tpu.enqueue_dma source(%arg10 : memref<1024xf32, #tpu.memory_space<vmem>>) target(%dma_start3A_9 : memref<1024xf32, #tpu.memory_space<hbm>>) target_semaphore(%run_scoped3A : memref<!tpu.dma_semaphore, #tpu.memory_space<semaphore_mem>>)
      %dma_wait3A = tpu.memref_slice %arg5[%mul3A_2] : memref<32768xf32, #tpu.memory_space<hbm>> -> memref<1024xf32, #tpu.memory_space<hbm>>
      %dma_wait3A_10 = tpu.memref_slice %arg5[%mul3A_2] : memref<32768xf32, #tpu.memory_space<hbm>> -> memref<1024xf32, #tpu.memory_space<hbm>>
      tpu.wait_dma2 semaphore(%run_scoped3A : memref<!tpu.dma_semaphore, #tpu.memory_space<semaphore_mem>>) src(%arg10 : memref<1024xf32, #tpu.memory_space<vmem>>) dst(%dma_wait3A_10 : memref<1024xf32, #tpu.memory_space<hbm>>)
      tpu.yield
    }) : () -> ()
    "tpu.region"() ({
      %run_scoped3A = tpu.sem_alloc : memref<!tpu.dma_semaphore, #tpu.memory_space<semaphore_mem>>
      %dma_start3A = tpu.memref_slice %arg6[%mul3A_2] : memref<32768xf32, #tpu.memory_space<hbm>> -> memref<1024xf32, #tpu.memory_space<hbm>>
      %dma_start3A_9 = tpu.memref_slice %arg6[%mul3A_2] : memref<32768xf32, #tpu.memory_space<hbm>> -> memref<1024xf32, #tpu.memory_space<hbm>>
      tpu.enqueue_dma source(%arg11 : memref<1024xf32, #tpu.memory_space<vmem>>) target(%dma_start3A_9 : memref<1024xf32, #tpu.memory_space<hbm>>) target_semaphore(%run_scoped3A : memref<!tpu.dma_semaphore, #tpu.memory_space<semaphore_mem>>)
      %dma_wait3A = tpu.memref_slice %arg6[%mul3A_2] : memref<32768xf32, #tpu.memory_space<hbm>> -> memref<1024xf32, #tpu.memory_space<hbm>>
      %dma_wait3A_10 = tpu.memref_slice %arg6[%mul3A_2] : memref<32768xf32, #tpu.memory_space<hbm>> -> memref<1024xf32, #tpu.memory_space<hbm>>
      tpu.wait_dma2 semaphore(%run_scoped3A : memref<!tpu.dma_semaphore, #tpu.memory_space<semaphore_mem>>) src(%arg11 : memref<1024xf32, #tpu.memory_space<vmem>>) dst(%dma_wait3A_10 : memref<1024xf32, #tpu.memory_space<hbm>>)
      tpu.yield
    }) : () -> ()
    return
  }
}

module attributes {stable_mosaic.version = 14 : i64} {
  func.func @_mm_body(%arg0: i32, %arg1: memref<2048x768xf32, #tpu.memory_space<vmem>>, %arg2: memref<768x16xf32, #tpu.memory_space<vmem>>, %arg3: memref<2048x16xf32, #tpu.memory_space<vmem>>) attributes {dimension_semantics = [#tpu.dimension_semantics<arbitrary>], iteration_bounds = array<i64: 16>, scalar_prefetch = 0 : i64, scratch_operands = 0 : i64, tpu.core_type = #tpu.core_type<tc>, window_params = [{transform_indices = @transform_0, window_bounds = array<i64: 2048, 768>}, {pipeline_mode = #tpu.pipeline_mode<synchronous>, transform_indices = @transform_1, window_bounds = array<i64: 768, 16>}, {transform_indices = @transform_2, window_bounds = array<i64: 2048, 16>}]} {
    %get3A = arith.constant 0 : index
    %get3A_0 = arith.constant 0 : index
    %get3A_1 = vector.load %arg1[%get3A, %get3A_0] : memref<2048x768xf32, #tpu.memory_space<vmem>>, vector<2048x768xf32>
    %get3A_2 = arith.constant 0 : index
    %get3A_3 = arith.constant 0 : index
    %get3A_4 = vector.load %arg2[%get3A_2, %get3A_3] : memref<768x16xf32, #tpu.memory_space<vmem>>, vector<768x16xf32>
    %dot_general3A = arith.constant dense<0.000000e+00> : vector<2048x16xf32>
    %dot_general3A_5 = tpu.matmul %get3A_1, %get3A_4, %dot_general3A {dimension_numbers = #tpu.dot_dimension_numbers<[1], [0], [0], [1], [0, 0, 1, 1], [], []>, transpose_lhs_hint = false} : vector<2048x768xf32>, vector<768x16xf32>, vector<2048x16xf32> -> vector<2048x16xf32>
    %swap3A = arith.constant 0 : index
    %swap3A_6 = arith.constant 0 : index
    %swap3A_7 = vector.load %arg3[%swap3A, %swap3A_6] : memref<2048x16xf32, #tpu.memory_space<vmem>>, vector<2048x16xf32>
    tpu.vector_store %arg3[%swap3A, %swap3A_6], %dot_general3A_5 {strides = array<i32>} : memref<2048x16xf32, #tpu.memory_space<vmem>>, vector<2048x16xf32>,
    return
  }
  func.func @transform_0(%arg0: i32) -> (i32, i32) {
    %c0_i32 = arith.constant 0 : i32
    %c0_i32_0 = arith.constant 0 : i32
    return %arg0, %c0_i32 : i32, i32
  }
  func.func @transform_1(%arg0: i32) -> (i32, i32) {
    %c0_i32 = arith.constant 0 : i32
    %c0_i32_0 = arith.constant 0 : i32
    %c0_i32_1 = arith.constant 0 : i32
    return %c0_i32, %c0_i32_0 : i32, i32
  }
  func.func @transform_2(%arg0: i32) -> (i32, i32) {
    %c0_i32 = arith.constant 0 : i32
    %c0_i32_0 = arith.constant 0 : i32
    return %arg0, %c0_i32 : i32, i32
  }
}

</mosaic_0001>

<sc_bundles>
// kernel: kernel.4.cloned.1.call-start
scs
__scs_entry_jumppad:
0x0: {  	(pc) =	sbr.rel $0x88, $3  }
0x1: {  	(tag) =	ssettag $0x0;
	lr =	simm.s32 $0x1  }
0x2: {  	[smem:$0x3F9F] =	sst lr;
	_ =	strace $0xD0000000  }
0x3: {  	_ = 	snop  }
0x4: {  	_ = 	snop  }
0x5: {  	_ = 	snop  }
0x6: {  	_ = 	snop  }
0x7: {  	_ = 	snop  }
__scs_overlays_trampoline_lowered:
0x8: {  	[smem:$0x3FAE] =	sst s0  }
0x9: {  	[smem:$0x3FAF] =	sst s1  }
0xa: {  	[smem:$0x3FB0] =	sst s2  }
0xb: {  	[smem:$0x3FB1] =	sst s3  }
0xc: {  	[smem:$0x3FB2] =	sst s4  }
0xd: {  	[smem:$0x3FB3] =	sst s5  }
0xe: {  	[smem:$0x3FB4] =	sst s6  }
0xf: {  	[smem:$0x3FB5] =	sst s7  }
0x10: {  	[smem:$0x3FB6] =	sst s8  }
0x11: {  	[smem:$0x3FB7] =	sst s9;
	s0 =	simm.s32 @!p0 $0x0  }
0x12: {  	s1 =	sld [smem:$0x3F9D];
	s0 =	simm.s32 @p0 $0x1  }
0x13: {  	[smem:$0x3FB8] =	sst s0;
	s0 =	simm.s32 @!p1 $0x0  }
0x14: {  	s2 =	sld [smem:$0x3F9C];
	s0 =	simm.s32 @p1 $0x1  }
0x15: {  	[smem:$0x3FB9] =	sst s0;
	s0 =	simm.s32 @!p2 $0x0  }
0x16: {  	s3 =	sld [smem:$0x3FDB];
	s0 =	simm.s32 @p2 $0x1  }
0x17: {  	s4 =	simm.s32 $0x1BF5;
	[smem:$0x3FBB] =	sst s0  }
0x18: {  	s0 =	sld [smem:$0x3F9E];
	_ =	swait.ge [sflag:s4], $0x0  }
0x19: {  	s7 =	sld [smem:$0x3F9F]  }
0x1a: {  	s8 =	sadd.s32 $0xFFFFE003, lr  }
0x1b: {  	s9 =	sadd.s32 $0xFFFFFEF7, lr;
	s5 =	simm.s32 $0xFFFFFFFF;
	p2 =	slt.u32 s8, $0xFFFFF086  }
0x1c: {  	p1 =	slt.u32 s9, $0xF7A;
	s5 =	simm.s32 @!p2 $0x0  }
0x1d: {  	s5 =	simm.s32 @p1 $0x1;
	p0 =	seq.s32 s7, s2  }
0x1e: {  	s7 =	smul.u32 @!p0 $0xF7A, s2;
	p2 =	seq.s32 @!p0 s5, $0x0  }
0x1f: {  	s9 =	smul.u32 $0xF7A, s1;
	s8 =	simm.s32 @!p0 $0x1BF5;
	p2 =	por !p2, p0  }
0x20: {  	[sflag:s8] =	ssyncset.s32 @!p0 $0xFFFFF086;
	s6 =	sadd.s32 @!p0 s3, s7;
	s7 =	simm.s32 @!p0 $0x108  }
0x21: {  	s3 =	sadd.s32 s3, s9;
	s6 =	sadd.s32 @!p0 $0x88, s6;
	s7 =	simm.s32 @p2 $0x1082  }
0x22: {  	[simem:s7], [sflag:s8] =	dma.local @!p0 [hbm:s6], $0xF7A  }
0x23: {  	s9 =	sor.u32 $0xD0000000, s2;
	s6 =	simm.s32 $0x108;
	_ =	swait.ge @!p0 [sflag:s8], $0x0  }
0x24: {  	s3 =	sadd.s32 $0x88, s3;
	s6 =	simm.s32 @!p1 $0x1082;
	[sflag:s4] =	ssyncset.s32 $0xFFFFF086  }
0x25: {  	[simem:s6], [sflag:s4] =	dma.local [hbm:s3], $0xF7A  }
0x26: {  	[smem:$0x3F9F] =	sst s1;
	(tag) =	ssettag s2;
	_ =	strace s9  }
0x27: {  	s1 =	sld [smem:$0x3FAF]  }
0x28: {  	s2 =	sld [smem:$0x3FB0]  }
0x29: {  	s4 =	sld [smem:$0x3FB2]  }
0x2a: {  	p0 =	seq.s32 s5, $0x0;
	s5 =	sld [smem:$0x3FB3]  }
0x2b: {  	s6 =	sld [smem:$0x3FB4]  }
0x2c: {  	s7 =	sld [smem:$0x3FB5]  }
0x2d: {  	s3 =	simm.s32 $0x108;
	s8 =	sld [smem:$0x3FB6]  }
0x2e: {  	s3 =	simm.s32 @!p0 $0x1082;
	s9 =	sld [smem:$0x3FB7]  }
0x2f: {  	lr =	sadd.s32 s0, s3;
	s0 =	sld [smem:$0x3FAE]  }
0x30: {  	s3 =	sld [smem:$0x3FB1]  }
0x31: {  	[smem:$0x3FBA] =	sst s10  }
0x32: {  	s10 =	sld [smem:$0x3FB8];
	_ =	sdelay $0x3  }
0x33: {  	p0 =	seq.s32 s10, $0x1;
	s10 =	sld [smem:$0x3FBA];
	_ =	sdelay $0x3  }
0x34: {  	[smem:$0x3FBA] =	sst s10  }
0x35: {  	s10 =	sld [smem:$0x3FB9];
	_ =	sdelay $0x3  }
0x36: {  	p1 =	seq.s32 s10, $0x1;
	s10 =	sld [smem:$0x3FBA];
	_ =	sdelay $0x3  }
0x37: {  	[smem:$0x3FBA] =	sst s10  }
0x38: {  	s10 =	sld [smem:$0x3FBB]  }
0x39: {  	_ = 	snop;
	(pc) =	sbr.ind lr, $3  }
0x3a: {  	_ = 	snop  }
0x3b: {  	_ = 	snop  }
0x3c: {  	p2 =	seq.s32 s10, $0x1;
	s10 =	sld [smem:$0x3FBA]  }
0x3d: {  	_ =	shalt  }
0x3e: {  	_ =	shalt  }
0x3f: {  	_ =	shalt  }
0x40: {  	_ =	shalt  }
0x41: {  	_ =	shalt  }
0x42: {  	_ =	shalt  }
0x43: {  	_ =	shalt  }
0x44: {  	_ =	shalt  }
0x45: {  	_ =	shalt  }
0x46: {  	_ =	shalt  }
0x47: {  	_ =	shalt  }
0x48: {  	_ =	shalt  }
0x49: {  	_ =	shalt  }
0x4a: {  	_ =	shalt  }
0x4b: {  	_ =	shalt  }
0x4c: {  	_ =	shalt  }
0x4d: {  	_ =	shalt  }
0x4e: {  	_ =	shalt  }
0x4f: {  	_ =	shalt  }
0x50: {  	_ =	shalt  }
0x51: {  	_ =	shalt  }
0x52: {  	_ =	shalt  }
0x53: {  	_ =	shalt  }
0x54: {  	_ =	shalt  }
0x55: {  	_ =	shalt  }
0x56: {  	_ =	shalt  }
0x57: {  	_ =	shalt  }
0x58: {  	_ =	shalt  }
0x59: {  	_ =	shalt  }
0x5a: {  	_ =	shalt  }
0x5b: {  	_ =	shalt  }
0x5c: {  	_ =	shalt  }
0x5d: {  	_ =	shalt  }
0x5e: {  	_ =	shalt  }
0x5f: {  	_ =	shalt  }
0x60: {  	_ =	shalt  }
0x61: {  	_ =	shalt  }
0x62: {  	_ =	shalt  }
0x63: {  	_ =	shalt  }
0x64: {  	_ =	shalt  }
0x65: {  	_ =	shalt  }
0x66: {  	_ =	shalt  }
0x67: {  	_ =	shalt  }
0x68: {  	_ =	shalt  }
0x69: {  	_ =	shalt  }
0x6a: {  	_ =	shalt  }
0x6b: {  	_ =	shalt  }
0x6c: {  	_ =	shalt  }
0x6d: {  	_ =	shalt  }
0x6e: {  	_ =	shalt  }
0x6f: {  	_ =	shalt  }
0x70: {  	_ =	shalt  }
0x71: {  	_ =	shalt  }
0x72: {  	_ =	shalt  }
0x73: {  	_ =	shalt  }
0x74: {  	_ =	shalt  }
0x75: {  	_ =	shalt  }
0x76: {  	_ =	shalt  }
0x77: {  	_ =	shalt  }
0x78: {  	_ =	shalt  }
0x79: {  	_ =	shalt  }
0x7a: {  	_ =	shalt  }
0x7b: {  	_ =	shalt  }
0x7c: {  	_ =	shalt  }
0x7d: {  	_ =	shalt  }
0x7e: {  	_ =	shalt  }
0x7f: {  	_ =	shalt  }
0x80: {  	_ =	shalt  }
0x81: {  	_ =	shalt  }
0x82: {  	_ =	shalt  }
0x83: {  	_ =	shalt  }
0x84: {  	_ =	shalt  }
0x85: {  	_ =	shalt  }
0x86: {  	_ =	shalt  }
0x87: {  	_ =	shalt  }
.Lfunc_end0:
.L_simem_size_0:
called_computation_lowered:
.L_overlay_start_0:
0x88: {  	s2 =	sld [smem:$0x3FD9]  }
0x89: {  	s3 =	sld [smem:$0x3FFE];
	_ =	sdelay $0x1  }
0x8a: {  	s1 =	srdreg.scid  }
0x8b: {  	s0 =	sand.u32 $0x1, s1  }
0x8c: {  	s14 =	sshll.u32 s0, $0xA;
	s2 =	sadd.s32 s3, s2  }
0x8d: {  	s2 =	sadd.s32 s2, s14  }
0x8e: {  	[smem:$0x3FC6] =	sst s2  }
0x8f: {  	_ = 	snop  }
0x90: {  	s2 =	sld [smem:$0x3FD0];
	_ =	sdelay $0x2  }
0x91: {  	s15 =	simm.s32 $0xA;
	s4 =	simm.s32 $0x10  }
0x92: {  	[smem:s4], [sflag:s15] =	dma.local [hbm:s2], $0x1  }
0x93: {  	_ =	swait.eq [sflag:s15], $0x1  }
0x94: {  	[sflag:s15] =	ssyncset.done $0x0  }
0x95: {  	[sflag:s15] =	ssyncadd.s32 $0xFFFFFFFF  }
0x96: {  	s16 =	sld [smem:$0x11];
	(tm) =	ssettm $0x1  }
0x97: {  	s17 =	sld [smem:$0x3FFB];
	_ =	sdelay $0x3  }
0x98: {  	_ =	strace s17  }
0x99: {  	s3 =	sld [smem:$0x3FFC];
	_ =	sdelay $0x3  }
0x9a: {  	_ =	strace s3  }
0x9b: {  	s3 =	sld [smem:$0x3FFD];
	_ =	sdelay $0x3  }
0x9c: {  	_ =	strace s3  }
0x9d: {  	_ =	strace $0x8FFFFFFF  }
0x9e: {  	s18 =	sld [smem:$0x3FDB];
	_ =	sdelay $0x1  }
0x9f: {  	s19 =	simm.s32 $_scs_section_size  }
0xa0: {  	s5 =	simm.s32 $_size__tile_overlayer_lowered;
	s6 =	simm.s32 $_tile_overlayer_lowered  }
0xa1: {  	s22 =	simm.s32 $0x1BFF;
	s21 =	sshll.u32 s6, $0x1;
	s3 =	sadd.s32 s19, s18  }
0xa2: {  	s7 =	simm.s32 $0x0;
	s20 =	sshll.u32 s5, $0x1;
	s5 =	sadd.s32 s21, s3  }
0xa3: {  	[timem:s7], [sflag:s22] =	dma.local [hbm:s5], s20  }
0xa4: {  	_ =	swait.ge [sflag:s22], s20  }
0xa5: {  	s4 =	ssub.s32 $0x0, s20;
	[sflag:s22] =	ssyncset.done $0x0  }
0xa6: {  	[sflag:s22] =	ssyncadd.s32 s4;
	_ =	sdelay $0x1  }
0xa7: {  	s23 =	simm.s32 $0x1B8B  }
0xa8: {  	_ =	swait.ge [sflag:s23], $0x1  }
0xa9: {  	[sflag:s23] =	ssyncset.done $0x0  }
0xaa: {  	s25 =	simm.s32 $0x1B8E;
	s24 =	sld [smem:$0x3FFE];
	[sflag:s23] =	ssyncadd.s32 $0xFFFFFFFF  }
0xab: {  	s26 =	simm.s32 $execute0_lowered;
	[smem:$0x3FD2] =	sst s25  }
0xac: {  	s5 =	sshll.u32 s26, $0x1;
	_ =	strace $0x80000046;
	[dreg:$0x1] =	wrdreg $0xFFFFFFFF  }
0xad: {  	s28 =	simm.s32 $_size_execute0_lowered;
	s3 =	sadd.s32 s3, s5;
	[dreg:$0x0] =	wrdreg $0x0  }
0xae: {  	s5 =	sshll.u32 s28, $0x1;
	[dreg:$0x2] =	wrdreg s3  }
0xaf: {  	[dreg:$0x3] =	wrdreg s5  }
0xb0: {  	[dreg:$0x4] =	wrdreg $0xC0  }
0xb1: {  	_ =	task [dreg:s7], $0x5FFFF  }
0xb2: {  	[dreg:$0x1] =	wrdreg $0xFFFFFFFF  }
0xb3: {  	[dreg:$0x0] =	wrdreg $0x60  }
0xb4: {  	[dreg:$0x2] =	wrdreg s24  }
0xb5: {  	[dreg:$0x3] =	wrdreg s16  }
0xb6: {  	[dreg:$0x4] =	wrdreg $0x9  }
0xb7: {  	_ =	task.clear_ibuf [dreg:s7], $0x5FFFF;
	_ =	strace $0x90000046  }
0xb8: {  	s29 =	simm.s32 $0x9;
	_ =	strace $0x80000048  }
0xb9: {  	_ =	swait.ge [sflag:s29], $0x1  }
0xba: {  	[sflag:s29] =	ssyncadd.s32 $0xFFFFFFFF  }
0xbb: {  	_ =	strace $0x90000048  }
0xbc: {  	_ =	sfence  }
0xbd: {  	s30 =	sld [smem:$0x0];
	_ =	sdelay $0x2  }
0xbe: {  	s31 =	sshll.u32 s1, $0xD;
	s1 =	sshrl.u32 s1, $0x2  }
0xbf: {  	s3 =	sand.u32 $0x4000, s31;
	s1 =	sadd.s32 s1, s30  }
0xc0: {  	s0 =	sor.u32 s3, s0;
	s1 =	sshll.u32 s1, $0x11  }
0xc1: {  	s0 =	sor.u32 s1, s0  }
0xc2: {  	s0 =	sadd.s32 $0x8F2B, s0  }
0xc3: {  	[sflag:s0] =	ssyncadd.remote.s32 $0x1  }
0xc4: {  	_ =	sfence.sel $0xFFFF  }
0xc5: {  	[dreg:$0x0] =	wrdreg $0xFFFFFFFF;
	(pc) =	sbr.abs _section_cstart, $3  }
0xc6: {  	[dreg:$0x1] =	wrdreg $0xFFFFFFFF  }
0xc7: {  	_ =	task.clear_ibuf [dreg:s7], $0x2FFFF;
	_ =	strace $0x9FFFFFFF  }
0xc8: {  	(tm) =	ssettm $0x7FFFFFFF  }
0xc9: {  	_ =	shalt  }
tec
execute0_lowered:
.L_overlay_start_1:
0x0: {  	(tag) =	ssettag $0x1  }
0x1: {  	s3 =	rddreg [dreg:$0x0]  }
0x2: {  	s4 =	rddreg [dreg:$0x1]  }
0x3: {  	s0 =	rddreg [dreg:$0x2];
	s5 =	srdreg.scid  }
0x4: {  	s2 =	simm.s32 $0x0;
	s1 =	stileid.u32;
	s10 =	simm.s32 $0x4000  }
0x5: {  	s11 =	simm.s32 $0x4400;
	s12 =	simm.s32 $0x4800;
	s13 =	simm.s32 $0x4C00  }
0x6: {  	s14 =	simm.s32 $0x0;
	s5 =	sand.u32 $0x1, s5;
	[smem:$0x7FF] =	sst s2  }
0x7: {  	s6 =	sshll.u32 s1, $0xB;
	s7 =	sshll.u32 s5, $0xA;
	s5 =	ssub.s32 $0x2, s5  }
0x8: {  	_ =	strace $0x80000047;
	s6 =	sor.u32 s7, s6;
	s8 =	sshrl.u32 s5, $0x1  }
0x9: {  	s7 =	sshll.u32 s6, $0x1;
	s6 =	sshrl.u32 s6, $0x3;
	s8 =	ssub.s32 s5, s8  }
0xa: {  	s7 =	sadd.s32 s7, s3;
	s9 =	sadd.s32 s6, s3;
	s4 =	sadd.s32 s4, s6  }
0xb: {  	s8 =	smax.u32 s8, $0x1;
	s3 =	sadd.s32 $0x800, s7;
	s5 =	sadd.s32 $0x10800, s9  }
0xc: {  	v0 =	vlaneseq.u32;
	vm0 =	vcmask $0x704;
	s6 =	sadd.s32 $0x11800, s9;
	s7 =	sadd.s32 $0x12800, s9;
	s9 =	simm.s32 $0x1  }
.LBB2_1:
0xd: {  	[tilespmem:s2], [sflag:$0x1] =	stream.linear.gather [hbm4b:s3+s2], $0x4000, $0x38;
	[tilespmem:$0x5000] =	vst v63  }
0xe: {  	_ =	swait.ge [sflag:s9], $0x4000  }
0xf: {  	[sflag:s9] =	ssyncset.done $0x0  }
0x10: {  	[sflag:s9] =	ssyncadd.s32 $0xFFFFC000  }
0x11: {  	v1 =	vld [tilespmem:s2+$0x0];
	_ =	sdelay $0x4  }
0x12: {  	(xrf1) =	vsort.dscd.msk.f32 $0xffff, v1, v0;
	_ =	sdelay $0xd  }
0x13: {  	v1, v2, _ =	vpop (xrf1)  }
0x14: {  	(v2sf) =	vpush v1, $0x1  }
0x15: {  	(v2sf) =	vpush v1, $0x0;
	_ =	sdelay $0xd  }
0x16: {  	s15 =	spop (v2sf)  }
0x17: {  	s16 =	spop (v2sf)  }
0x18: {  	s15 =	ssub.f32 s15, s16;
	_ =	sdelay $0x1  }
0x19: {  	v1 =	vmov s15  }
0x1a: {  	v1 =	vmul.f32 $1.442695020e+00, v1;
	_ =	sdelay $0x1  }
0x1b: {  	v1 =	vbroadcast v1, $0x0;
	_ =	sdelay $0x1  }
0x1c: {  	(erf) = vpow2.f32 v1;
	_ =	sdelay $0x8  }
0x1d: {  	v3 =	vpop (erf)  }
0x1e: {  	v1 =	vadd.f32 $1.000000000e+00, v3;
	_ =	sdelay $0x1  }
0x1f: {  	(erf) = vrcp.f32 v1;
	_ =	sdelay $0x2  }
0x20: {  	v1 =	vmov s2;
	_ =	sdelay $0x4  }
0x21: {  	[tilespmem:v1+s10+$0x0] =	vst.idx.msk $0x1, v2  }
0x22: {  	[tilespmem:v1+s11+$0x0] =	vst.idx.msk vm0, v2;
	v4 =	vpop (erf)  }
0x23: {  	s16 =	simm.s32 $0x0;
	s15 =	simm.s32 $0x1;
	v2 =	vmul.f32 v4, v3;
	[tilespmem:v1+s12+$0x0] =	vst.idx.msk $0x1, v4  }
.LBB2_2:
0x24: {  	p0 =	sne.s32 s15, $0x3FF  }
0x25: {  	s16 =	sadd.s32 $0x10, s16;
	s17 =	smov.u32 s15;
	s15 =	sadd.s32 $0x1, s15  }
0x26: {  	[tilespmem:v1+s13+$0x0] =	vst.idx.msk $0x1, v2  }
0x27: {  	v1 =	vld [tilespmem:s16+$0x0];
	_ =	sdelay $0x4  }
0x28: {  	(xrf1) =	vsort.dscd.msk.f32 $0xffff, v1, v0;
	_ =	sdelay $0xd  }
0x29: {  	v1, v2, _ =	vpop (xrf1)  }
0x2a: {  	(v2sf) =	vpush v1, $0x1  }
0x2b: {  	(v2sf) =	vpush v1, $0x0;
	_ =	sdelay $0xd  }
0x2c: {  	s18 =	spop (v2sf)  }
0x2d: {  	s19 =	spop (v2sf)  }
0x2e: {  	s18 =	ssub.f32 s18, s19;
	_ =	sdelay $0x1  }
0x2f: {  	v1 =	vmov s18  }
0x30: {  	v1 =	vmul.f32 $1.442695020e+00, v1;
	_ =	sdelay $0x1  }
0x31: {  	v1 =	vbroadcast v1, $0x0;
	_ =	sdelay $0x1  }
0x32: {  	(erf) = vpow2.f32 v1;
	_ =	sdelay $0x8  }
0x33: {  	v3 =	vpop (erf)  }
0x34: {  	v1 =	vadd.f32 $1.000000000e+00, v3;
	_ =	sdelay $0x1  }
0x35: {  	(erf) = vrcp.f32 v1;
	_ =	sdelay $0x2  }
0x36: {  	v1 =	vmov s17;
	_ =	sdelay $0x2  }
.Ltmp0:
0x37: {  	(pc) =	sbr.rel @p0 .LBB2_2-.Ltmp0, $4  }
0x38: {  	_ = 	snop  }
0x39: {  	[tilespmem:v1+s10+$0x0] =	vst.idx.msk $0x1, v2  }
0x3a: {  	[tilespmem:v1+s11+$0x0] =	vst.idx.msk vm0, v2;
	v4 =	vpop (erf)  }
0x3b: {  	v2 =	vmul.f32 v4, v3;
	[tilespmem:v1+s12+$0x0] =	vst.idx.msk $0x1, v4  }
0x3c: {  	_ =	sdelay $0x3  }
0x3d: {  	[tilespmem:v1+s13+$0x0] =	vst.idx.msk $0x1, v2  }
0x3e: {  	[hbm4b:s4+s2] =	stream.linear.scatter [tilespmem:s10], [sflag:$0x1], $0x400, $0x38;
	[tilespmem:$0x5000] =	vst v63  }
0x3f: {  	_ =	swait.ge [sflag:s9], $0x400  }
0x40: {  	[sflag:s9] =	ssyncset.done $0x0  }
0x41: {  	[sflag:s9] =	ssyncadd.s32 $0xFFFFFC00  }
0x42: {  	[hbm4b:s5+s2] =	stream.linear.scatter [tilespmem:s11], [sflag:$0x1], $0x400, $0x38;
	[tilespmem:$0x5000] =	vst v63  }
0x43: {  	_ =	swait.ge [sflag:s9], $0x400  }
0x44: {  	[sflag:s9] =	ssyncset.done $0x0  }
0x45: {  	[sflag:s9] =	ssyncadd.s32 $0xFFFFFC00  }
0x46: {  	[hbm4b:s6+s2] =	stream.linear.scatter [tilespmem:s12], [sflag:$0x1], $0x400, $0x38;
	[tilespmem:$0x5000] =	vst v63  }
0x47: {  	s14 =	sadd.s32 $0x1, s14;
	_ =	swait.ge [sflag:s9], $0x400  }
0x48: {  	p0 =	sne.s32 s14, s8;
	[sflag:s9] =	ssyncset.done $0x0  }
.Ltmp1:
0x49: {  	[sflag:s9] =	ssyncadd.s32 $0xFFFFFC00;
	(pc) =	sbr.rel @p0 .LBB2_1-.Ltmp1, $4  }
0x4a: {  	[hbm4b:s7+s2] =	stream.linear.scatter [tilespmem:s13], [sflag:$0x1], $0x400, $0x38;
	[tilespmem:$0x5000] =	vst v63  }
0x4b: {  	_ =	swait.ge [sflag:s9], $0x400  }
0x4c: {  	[sflag:s9] =	ssyncset.done $0x0  }
0x4d: {  	[sflag:s9] =	ssyncadd.s32 $0xFFFFFC00  }
0x4e: {  	_ =	sfence.sel $0x180000  }
0x4f: {  	[bflag:$0x0] =	sbarrier.arrive $0xFFFF  }
0x50: {  	p0 =	sne.s32 s1, $0x0;
	_ =	strace $0x90000047  }
0x51: {  	s0 =	sadd.s32 @!p0 $0x100000, s0;
	[bflag:$0x2] =	sbarrier.arrive $0xFFFF  }
0x52: {  	[sflag:s0] =	ssyncadd.tile.s32 @!p0 $0x1;
	_ =	shalt  }
.Lfunc_end2:
_tile_overlayer_lowered:
.L_overlay_start_2:
0x53: {  	(tag) =	ssettag $0x2  }
0x54: {  	s0 =	rddreg [dreg:$0x0];
	s2 =	stileid.u32  }
0x55: {  	s1 =	rddreg [dreg:$0x1];
	p0 =	sne.s32 s2, $0x0  }
0x56: {  	s3 =	rddreg [dreg:$0x2];
	[bflag:$0x3] =	sbarrier.arrive $0xFFFF;
	s2 =	simm.s32 @!p0 $0x1C01  }
0x57: {  	[timem:s3], [sflag:s2] =	dma.local @!p0 [hbm:s0], s1  }
0x58: {  	s0 =	simm.s32 @!p0 $0x1  }
0x59: {  	_ =	swait.ge @!p0 [sflag:s0], s1  }
0x5a: {  	s1 =	ssub.s32 @!p0 $0x0, s1;
	[sflag:s0] =	ssyncset.done @!p0 $0x0  }
0x5b: {  	[sflag:s0] =	ssyncadd.s32 @!p0 s1  }
0x5c: {  	[bflag:$0x3] =	sbarrier.arrive $0xFFFF  }
0x5d: {  	_ =	shalt  }

</sc_bundles>
